<compile_context>
chip_gen: v7x
topology: tpu7x:2x2x1
jax: 0.10.2.dev20260603
libtpu: 0.0.44.dev20260713+nightly
codegen_flags: <defaults>
</compile_context>

<pallas_src>
import functools

import jax
import jax.numpy as jnp
from jax import lax
from jax.experimental import pallas as pl
from jax.experimental.pallas import tpu as pltpu
from jax.experimental.pallas import tpu_sc as plsc

_NC = 2
_NS = 16
_NW = _NC * _NS
_CSZ = 80


def _pad_n(n):
    return ((n + 127) // 128) * 128


def _edge_tiles(src, dst, n, e):
    np_ = _pad_n(n)
    epw = -(-e // _NW)
    pe = -(-epw // _CSZ) * _CSZ
    if (pe // _CSZ) % 2 == 0:
        pe += _CSZ
    nch = pe // _CSZ
    dump = n + (jnp.arange(_NW, dtype=jnp.int32) % (np_ - n))
    src_p = jnp.pad(src, (0, _NW * epw - e)).reshape(_NW, epw)
    dst_p = jnp.pad(dst, (0, _NW * epw - e),
                    constant_values=np_ - 1).reshape(_NW, epw)
    src_p = jnp.pad(src_p, ((0, 0), (0, pe - epw)))
    dst_p = jnp.concatenate(
        [dst_p, jnp.broadcast_to(dump[:, None], (_NW, pe - epw))], axis=1)
    return src_p.reshape(-1), dst_p.reshape(-1), pe, nch


@functools.partial(jax.jit, static_argnames=("n", "d", "pe", "nch"))
def _sc_segment_sum(h, src_f, dst_f, zeros_tile, *, n, d, pe, nch):
    np_ = _pad_n(n)
    rpt = np_ // _NS
    assert nch % 2 == 1 and nch >= 3

    mesh = plsc.VectorSubcoreMesh(core_axis_name="c", subcore_axis_name="s")

    @functools.partial(
        pl.kernel,
        mesh=mesh,
        out_type=jax.ShapeDtypeStruct((_NC * np_, d), jnp.float32),
        scratch_types=[
            pltpu.VMEM((_CSZ,), jnp.int32),
            pltpu.VMEM((_CSZ,), jnp.int32),
            pltpu.VMEM((_CSZ,), jnp.int32),
            pltpu.VMEM((_CSZ,), jnp.int32),
            pltpu.VMEM((_CSZ, d), jnp.float32),
            pltpu.VMEM((_CSZ, d), jnp.float32),
            pltpu.VMEM_SHARED((np_, d), jnp.float32),
            pltpu.SemaphoreType.DMA,
            pltpu.SemaphoreType.DMA,
            pltpu.SemaphoreType.DMA,
            pltpu.SemaphoreType.DMA,
        ],
    )
    def agg_kernel(h_hbm, src_hbm, dst_hbm, z_hbm, out_hbm,
                   src_a, dst_a, src_b, dst_b, rows_a, rows_b, acc_sh,
                   sem_ia, sem_ib, sem_ga, sem_gb):
        c = lax.axis_index("c")
        s = lax.axis_index("s")
        wid = s * _NC + c
        r0 = s * rpt
        base = wid * pe

        def i_start(j, src_v, dst_v, sem):
            off = base + j * _CSZ
            pltpu.async_copy(src_hbm.at[pl.ds(off, _CSZ)], src_v, sem)
            pltpu.async_copy(dst_hbm.at[pl.ds(off, _CSZ)], dst_v, sem)

        def i_wait(src_v, dst_v, sem):
            pltpu.make_async_copy(src_hbm.at[pl.ds(0, _CSZ)], src_v,
                                  sem).wait()
            pltpu.make_async_copy(dst_hbm.at[pl.ds(0, _CSZ)], dst_v,
                                  sem).wait()

        def g_start(src_v, buf, sem):
            pltpu.async_copy(h_hbm.at[src_v], buf, sem)

        def g_wait(buf, sem):
            pltpu.make_async_copy(h_hbm.at[pl.ds(0, _CSZ)], buf, sem).wait()

        def scat(dst_v, buf):
            pltpu.sync_copy(buf, acc_sh.at[dst_v], add=True)

        i_start(0, src_a, dst_a, sem_ia)
        i_start(1, src_b, dst_b, sem_ib)
        pltpu.sync_copy(z_hbm, acc_sh.at[pl.ds(r0, rpt)])
        i_wait(src_a, dst_a, sem_ia)
        plsc.subcore_barrier()
        g_start(src_a, rows_a, sem_ga)

        def body(i, carry):
            j = 2 * i + 1
            i_wait(src_b, dst_b, sem_ib)
            g_start(src_b, rows_b, sem_gb)
            g_wait(rows_a, sem_ga)
            scat(dst_a, rows_a)
            i_start(j + 1, src_a, dst_a, sem_ia)
            i_wait(src_a, dst_a, sem_ia)
            g_start(src_a, rows_a, sem_ga)
            g_wait(rows_b, sem_gb)
            scat(dst_b, rows_b)

            @pl.when(j + 2 < nch)
            def _():
                i_start(j + 2, src_b, dst_b, sem_ib)

            return carry

        lax.fori_loop(0, (nch - 1) // 2, body, 0)
        g_wait(rows_a, sem_ga)
        scat(dst_a, rows_a)
        plsc.subcore_barrier()
        pltpu.sync_copy(acc_sh.at[pl.ds(r0, rpt)],
                        out_hbm.at[pl.ds(c * np_ + r0, rpt)])

    out = agg_kernel(h, src_f, dst_f, zeros_tile)
    return out.reshape(_NC, np_, d)


@functools.partial(jax.jit, static_argnames=("n", "d"))
def _sc_degree(dst_t, ones_tile, zeros_tile, *, n, d):
    nch = dst_t.shape[1]
    np_ = _pad_n(n)
    rpt = np_ // _NS

    mesh = plsc.VectorSubcoreMesh(core_axis_name="c", subcore_axis_name="s")

    @functools.partial(
        pl.kernel,
        mesh=mesh,
        out_type=jax.ShapeDtypeStruct((_NC * np_, d), jnp.float32),
        scratch_types=[
            pltpu.VMEM((nch, _CSZ), jnp.int32),
            pltpu.VMEM((_CSZ, d), jnp.float32),
            pltpu.VMEM_SHARED((np_, d), jnp.float32),
            pltpu.SemaphoreType.DMA,
            pltpu.SemaphoreType.DMA,
        ],
    )
    def deg_kernel(dst_hbm, ones_hbm, z_hbm, out_hbm,
                   dst_v, ones_v, deg_sh, sem_a, sem_b):
        c = lax.axis_index("c")
        s = lax.axis_index("s")
        wid = s * _NC + c
        r0 = s * rpt
        cp = pltpu.async_copy(dst_hbm.at[wid], dst_v, sem_a)
        pltpu.sync_copy(z_hbm, deg_sh.at[pl.ds(r0, rpt)])
        pltpu.sync_copy(ones_hbm, ones_v)
        cp.wait()
        plsc.subcore_barrier()

        def scat_start(j, sem):
            pltpu.async_copy(ones_v, deg_sh.at[dst_v.at[j]], sem, add=True)

        def scat_wait(sem):
            pltpu.make_async_copy(ones_hbm, ones_v, sem).wait()

        scat_start(0, sem_a)

        def body(i, carry):
            scat_start(2 * i + 1, sem_b)
            scat_wait(sem_a)
            scat_start(2 * i + 2, sem_a)
            scat_wait(sem_b)
            return carry

        lax.fori_loop(0, (nch - 1) // 2, body, 0)
        scat_wait(sem_a)
        plsc.subcore_barrier()
        pltpu.sync_copy(deg_sh.at[pl.ds(r0, rpt)],
                        out_hbm.at[pl.ds(c * np_ + r0, rpt)])

    out = deg_kernel(dst_t, ones_tile, zeros_tile)
    return out.reshape(_NC, np_, d)[:, :n, 0:1]


def _tc_layer_bn_relu(P, degp, h, Wl, bl, Wr, g, beta):
    n, d = h.shape

    def body(p_ref, degp_ref, h_ref, wl_ref, bl_ref, wr_ref, g_ref, b_ref,
             o_ref):
        deg = degp_ref[0] + degp_ref[1]
        inv = 1.0 / jnp.maximum(deg, 1.0)
        mean = (p_ref[0, :n, :] + p_ref[1, :n, :]) * inv
        z = (jnp.dot(mean, wl_ref[...], preferred_element_type=jnp.float32)
             + bl_ref[...]
             + jnp.dot(h_ref[...], wr_ref[...],
                       preferred_element_type=jnp.float32))
        mu = jnp.mean(z, axis=0, keepdims=True)
        var = jnp.mean((z - mu) * (z - mu), axis=0, keepdims=True)
        zn = g_ref[...] * (z - mu) * lax.rsqrt(var + 1e-5) + b_ref[...]
        o_ref[...] = jnp.maximum(zn, 0.0)

    return pl.pallas_call(
        body,
        out_shape=jax.ShapeDtypeStruct((n, d), jnp.float32),
    )(P, degp, h, Wl, bl.reshape(1, -1), Wr, g.reshape(1, -1),
      beta.reshape(1, -1))


def _tc_layer_final(P, degp, h, Wl, bl, Wr, Wp, bp):
    n, d = h.shape
    o = Wp.shape[1]

    def body(p_ref, degp_ref, h_ref, wl_ref, bl_ref, wr_ref, wp_ref, bp_ref,
             out_ref):
        deg = degp_ref[0] + degp_ref[1]
        inv = 1.0 / jnp.maximum(deg, 1.0)
        mean = (p_ref[0, :n, :] + p_ref[1, :n, :]) * inv
        z = (jnp.dot(mean, wl_ref[...], preferred_element_type=jnp.float32)
             + bl_ref[...]
             + jnp.dot(h_ref[...], wr_ref[...],
                       preferred_element_type=jnp.float32))
        logits = jnp.dot(z, wp_ref[...],
                         preferred_element_type=jnp.float32) + bp_ref[...]
        m = jnp.max(logits, axis=1, keepdims=True)
        shifted = logits - m
        lse = jnp.log(jnp.sum(jnp.exp(shifted), axis=1, keepdims=True))
        out_ref[...] = shifted - lse

    return pl.pallas_call(
        body,
        out_shape=jax.ShapeDtypeStruct((n, o), jnp.float32),
    )(P, degp, h, Wl, bl.reshape(1, -1), Wr, Wp, bp.reshape(1, -1))


def kernel(x, edge_index, Wl0, bl0, Wr0, Wl1, bl1, Wr1, Wl2, bl2, Wr2,
           g0, beta0, g1, beta1, Wp, bp):
    n, d = x.shape
    e = edge_index.shape[1]
    src = edge_index[0]
    dst = edge_index[1]

    src_f, dst_f, pe, nch = _edge_tiles(src, dst, n, e)

    rpt = _pad_n(n) // _NS
    zeros_tile = jnp.zeros((rpt, d), jnp.float32)
    ones_tile = jnp.ones((_CSZ, d), jnp.float32)

    degp = _sc_degree(dst_f.reshape(_NW, nch, _CSZ), ones_tile, zeros_tile,
                      n=n, d=d)

    P0 = _sc_segment_sum(x, src_f, dst_f, zeros_tile, n=n, d=d, pe=pe,
                         nch=nch)
    h1 = _tc_layer_bn_relu(P0, degp, x, Wl0, bl0, Wr0, g0, beta0)

    P1 = _sc_segment_sum(h1, src_f, dst_f, zeros_tile, n=n, d=d, pe=pe,
                         nch=nch)
    h2 = _tc_layer_bn_relu(P1, degp, h1, Wl1, bl1, Wr1, g1, beta1)

    P2 = _sc_segment_sum(h2, src_f, dst_f, zeros_tile, n=n, d=d, pe=pe,
                         nch=nch)
    return _tc_layer_final(P2, degp, h2, Wl2, bl2, Wr2, Wp, bp)

# --- scband reference (transcript-rebuilt; emitter-appended) ---
"""Pipeline reference for scband-gnn-10505490006708 (READ-ONLY COPY).

The authoritative reference and input builder live on the scoring server;
editing this copy changes nothing except your own understanding.
"""

import jax, jax.numpy as jnp
import numpy as np

N = 10000
E = 320000
D = 128
H = 128
O = 40


def setup_inputs(seed: int = 0) -> dict:
    key = jax.random.key(seed)
    ks = jax.random.split(key, 24)
    x = jax.random.normal(ks[0], (N, D), dtype=jnp.float32)
    edge_index = jax.random.randint(ks[1], (2, E), 0, N, dtype=jnp.int32)
    s = 1.0 / np.sqrt(D)
    sh = 1.0 / np.sqrt(H)
    inp = {
        'x': x,
        'edge_index': edge_index,
        'Wl0': jax.random.uniform(ks[2], (D, H), jnp.float32, -s, s),
        'bl0': jnp.zeros((H,), jnp.float32),
        'Wr0': jax.random.uniform(ks[3], (D, H), jnp.float32, -s, s),
        'Wl1': jax.random.uniform(ks[4], (H, H), jnp.float32, -sh, sh),
        'bl1': jnp.zeros((H,), jnp.float32),
        'Wr1': jax.random.uniform(ks[5], (H, H), jnp.float32, -sh, sh),
        'Wl2': jax.random.uniform(ks[6], (H, H), jnp.float32, -sh, sh),
        'bl2': jnp.zeros((H,), jnp.float32),
        'Wr2': jax.random.uniform(ks[7], (H, H), jnp.float32, -sh, sh),
        'g0': jnp.ones((H,), jnp.float32),
        'beta0': jnp.zeros((H,), jnp.float32),
        'g1': jnp.ones((H,), jnp.float32),
        'beta1': jnp.zeros((H,), jnp.float32),
        'Wp': jax.random.uniform(ks[8], (H, O), jnp.float32, -sh, sh),
        'bp': jnp.zeros((O,), jnp.float32),
    }
    return inp


def _sage_conv(x, edge_index, Wl, bl, Wr):
    # PyG SAGEConv (mean aggregation): out = lin_l(mean_j x_j) + lin_r(x_i)
    src = edge_index[0]
    dst = edge_index[1]
    msgs = x[src]  # gather (SparseCore-friendly)
    agg = jax.ops.segment_sum(msgs, dst, num_segments=N)  # scatter-add
    deg = jax.ops.segment_sum(jnp.ones((edge_index.shape[1],), x.dtype), dst, num_segments=N)
    mean = agg / jnp.clip(deg, 1.0)[:, None]
    return mean @ Wl + bl + x @ Wr


def _bn(x, g, b, eps=1e-5):
    # BatchNorm1d, training-mode forward (batch statistics)
    mu = jnp.mean(x, axis=0)
    var = jnp.var(x, axis=0)
    return g * (x - mu) / jnp.sqrt(var + eps) + b


def reference(x, edge_index, Wl0, bl0, Wr0, Wl1, bl1, Wr1, Wl2, bl2, Wr2, g0, beta0, g1, beta1, Wp, bp):
    h = _sage_conv(x, edge_index, Wl0, bl0, Wr0)
    h = _bn(h, g0, beta0)
    h = jax.nn.relu(h)
    # dropout skipped (deterministic reference / eval)
    h = _sage_conv(h, edge_index, Wl1, bl1, Wr1)
    h = _bn(h, g1, beta1)
    h = jax.nn.relu(h)
    h = _sage_conv(h, edge_index, Wl2, bl2, Wr2)
    out = h @ Wp + bp
    return jax.nn.log_softmax(out, axis=1)

if __name__ == "__main__":
    import jax
    _d = setup_inputs()
    print(jax.jit(kernel)(*tuple(_d.values())))

</pallas_src>

<mosaic_0001>
#map = affine_map<(d0, d1) -> (0, 0, 0)>
#map1 = affine_map<(d0, d1) -> (0, 0)>
module attributes {stable_mosaic.version = 14 : i64} {
  func.func @deg_kernel(%arg0: i32, %arg1: i32, %arg2: memref<32x125x80xi32, #tpu.memory_space<hbm>>, %arg3: memref<80x128xf32, #tpu.memory_space<hbm>>, %arg4: memref<632x128xf32, #tpu.memory_space<hbm>>, %arg5: memref<20224x128xf32, #tpu.memory_space<hbm>>, %arg6: memref<125x80xi32, #tpu.memory_space<vmem>>, %arg7: memref<80x128xf32, #tpu.memory_space<vmem>>, %arg8: memref<10112x128xf32, #tpu.memory_space<vmem_shared>>, %arg9: memref<!tpu.dma_semaphore, #tpu.memory_space<semaphore_mem>>, %arg10: memref<!tpu.dma_semaphore, #tpu.memory_space<semaphore_mem>>) attributes {dimension_semantics = [#tpu.dimension_semantics<core_parallel>, #tpu.dimension_semantics<subcore_parallel>], iteration_bounds = array<i64: 2, 16>, scalar_prefetch = 0 : i64, scratch_operands = 5 : i64, tpu.core_type = #tpu.core_type<sc_vector_subcore>, window_params = [{transform_indices = #map}, {transform_indices = #map1}, {transform_indices = #map1}, {transform_indices = #map1}]} {
    %mul3A = arith.constant 2 : i32
    %mul3A_0 = arith.muli %arg1, %mul3A : i32
    %add3A = arith.addi %mul3A_0, %arg0 : i32
    %mul3A_1 = arith.constant 632 : i32
    %mul3A_2 = arith.muli %arg1, %mul3A_1 : i32
    %dma_start3A = arith.constant 0 : i32
    %dma_start3A_3 = arith.constant 0 : i32
    %dma_start3A_4 = tpu.memref_slice %arg2[%add3A, %dma_start3A, %dma_start3A_3] : memref<32x125x80xi32, #tpu.memory_space<hbm>> -> memref<1x125x80xi32, #tpu.memory_space<hbm>>
    %dma_start3A_5 = tpu.memref_squeeze %dma_start3A_4 : memref<1x125x80xi32, #tpu.memory_space<hbm>> -> memref<125x80xi32, #tpu.memory_space<hbm>>
    %dma_start3A_6 = arith.constant 0 : i32
    %dma_start3A_7 = arith.constant 0 : i32
    %dma_start3A_8 = tpu.memref_slice %arg2[%add3A, %dma_start3A_6, %dma_start3A_7] : memref<32x125x80xi32, #tpu.memory_space<hbm>> -> memref<1x125x80xi32, #tpu.memory_space<hbm>>
    %dma_start3A_9 = tpu.memref_squeeze %dma_start3A_8 : memref<1x125x80xi32, #tpu.memory_space<hbm>> -> memref<125x80xi32, #tpu.memory_space<hbm>>
    tpu.enqueue_dma source(%dma_start3A_9 : memref<125x80xi32, #tpu.memory_space<hbm>>) target(%arg6 : memref<125x80xi32, #tpu.memory_space<vmem>>) target_semaphore(%arg9 : memref<!tpu.dma_semaphore, #tpu.memory_space<semaphore_mem>>)
    "tpu.region"() ({
      %run_scoped3A = tpu.sem_alloc : memref<!tpu.dma_semaphore, #tpu.memory_space<semaphore_mem>>
      %dma_start3A_33 = arith.constant 0 : i32
      %dma_start3A_34 = tpu.memref_slice %arg8[%mul3A_2, %dma_start3A_33] : memref<10112x128xf32, #tpu.memory_space<vmem_shared>> -> memref<632x128xf32, #tpu.memory_space<vmem_shared>>
      tpu.enqueue_dma source(%arg4 : memref<632x128xf32, #tpu.memory_space<hbm>>) target(%dma_start3A_34 : memref<632x128xf32, #tpu.memory_space<vmem_shared>>) target_semaphore(%run_scoped3A : memref<!tpu.dma_semaphore, #tpu.memory_space<semaphore_mem>>)
      %dma_wait3A_35 = arith.constant 0 : i32
      %dma_wait3A_36 = tpu.memref_slice %arg8[%mul3A_2, %dma_wait3A_35] : memref<10112x128xf32, #tpu.memory_space<vmem_shared>> -> memref<632x128xf32, #tpu.memory_space<vmem_shared>>
      tpu.wait_dma2 semaphore(%run_scoped3A : memref<!tpu.dma_semaphore, #tpu.memory_space<semaphore_mem>>) src(%arg4 : memref<632x128xf32, #tpu.memory_space<hbm>>) dst(%dma_wait3A_36 : memref<632x128xf32, #tpu.memory_space<vmem_shared>>)
      tpu.yield
    }) : () -> ()
    "tpu.region"() ({
      %run_scoped3A = tpu.sem_alloc : memref<!tpu.dma_semaphore, #tpu.memory_space<semaphore_mem>>
      tpu.enqueue_dma source(%arg3 : memref<80x128xf32, #tpu.memory_space<hbm>>) target(%arg7 : memref<80x128xf32, #tpu.memory_space<vmem>>) target_semaphore(%run_scoped3A : memref<!tpu.dma_semaphore, #tpu.memory_space<semaphore_mem>>)
      tpu.wait_dma2 semaphore(%run_scoped3A : memref<!tpu.dma_semaphore, #tpu.memory_space<semaphore_mem>>) src(%arg3 : memref<80x128xf32, #tpu.memory_space<hbm>>) dst(%arg7 : memref<80x128xf32, #tpu.memory_space<vmem>>)
      tpu.yield
    }) : () -> ()
    %dma_wait3A = arith.constant 0 : i32
    %dma_wait3A_10 = arith.constant 0 : i32
    %dma_wait3A_11 = tpu.memref_slice %arg2[%add3A, %dma_wait3A, %dma_wait3A_10] : memref<32x125x80xi32, #tpu.memory_space<hbm>> -> memref<1x125x80xi32, #tpu.memory_space<hbm>>
    %dma_wait3A_12 = tpu.memref_squeeze %dma_wait3A_11 : memref<1x125x80xi32, #tpu.memory_space<hbm>> -> memref<125x80xi32, #tpu.memory_space<hbm>>
    %dma_wait3A_13 = arith.constant 0 : i32
    %dma_wait3A_14 = arith.constant 0 : i32
    %dma_wait3A_15 = tpu.memref_slice %arg2[%add3A, %dma_wait3A_13, %dma_wait3A_14] : memref<32x125x80xi32, #tpu.memory_space<hbm>> -> memref<1x125x80xi32, #tpu.memory_space<hbm>>
    %dma_wait3A_16 = tpu.memref_squeeze %dma_wait3A_15 : memref<1x125x80xi32, #tpu.memory_space<hbm>> -> memref<125x80xi32, #tpu.memory_space<hbm>>
    tpu.wait_dma2 semaphore(%arg9 : memref<!tpu.dma_semaphore, #tpu.memory_space<semaphore_mem>>) src(%dma_wait3A_16 : memref<125x80xi32, #tpu.memory_space<hbm>>) dst(%arg6 : memref<125x80xi32, #tpu.memory_space<vmem>>)
    %barrier3A = arith.constant 0 : index
    tpu.barrier barrier_id(%barrier3A)
    %dma_start3A_17 = arith.constant 0 : i32
    %dma_start3A_18 = arith.constant 0 : i32
    %dma_start3A_19 = tpu.memref_slice %arg6[%dma_start3A_17, %dma_start3A_18] : memref<125x80xi32, #tpu.memory_space<vmem>> -> memref<1x80xi32, #tpu.memory_space<vmem>>
    %dma_start3A_20 = tpu.memref_squeeze %dma_start3A_19 : memref<1x80xi32, #tpu.memory_space<vmem>> -> memref<80xi32, #tpu.memory_space<vmem>>
    %dma_start3A_21 = arith.constant 0 : i32
    %dma_start3A_22 = arith.constant 0 : i32
    %dma_start3A_23 = tpu.memref_slice %arg8[%dma_start3A_21, %dma_start3A_22] : memref<10112x128xf32, #tpu.memory_space<vmem_shared>> -> memref<10112x128xf32, #tpu.memory_space<vmem_shared>>
    tpu.enqueue_indirect_dma source(%arg7 : memref<80x128xf32, #tpu.memory_space<vmem>>) target(%dma_start3A_23 : memref<10112x128xf32, #tpu.memory_space<vmem_shared>>) offsets(%dma_start3A_20 : memref<80xi32, #tpu.memory_space<vmem>>) semaphore(%arg9 : memref<!tpu.dma_semaphore, #tpu.memory_space<semaphore_mem>>) {add = true}
    %scan3A = arith.constant 0 : i32
    %scan3A_24 = arith.constant 0 : i32
    %scan3A_25 = arith.constant 62 : i32
    %scan3A_26 = arith.addi %scan3A_24, %scan3A_25 : i32
    %scan3A_27 = arith.constant 1 : i32
    scf.for %scan3A_33 = %scan3A_24 to %scan3A_26 step %scan3A_27  : i32 {
      %mul3A_34 = arith.constant 2 : i32
      %mul3A_35 = arith.muli %mul3A_34, %scan3A_33 : i32
      %add3A_36 = arith.constant 1 : i32
      %add3A_37 = arith.addi %mul3A_35, %add3A_36 : i32
      %dma_start3A_38 = arith.constant 0 : i32
      %dma_start3A_39 = tpu.memref_slice %arg6[%add3A_37, %dma_start3A_38] : memref<125x80xi32, #tpu.memory_space<vmem>> -> memref<1x80xi32, #tpu.memory_space<vmem>>
      %dma_start3A_40 = tpu.memref_squeeze %dma_start3A_39 : memref<1x80xi32, #tpu.memory_space<vmem>> -> memref<80xi32, #tpu.memory_space<vmem>>
      %dma_start3A_41 = arith.constant 0 : i32
      %dma_start3A_42 = arith.constant 0 : i32
      %dma_start3A_43 = tpu.memref_slice %arg8[%dma_start3A_41, %dma_start3A_42] : memref<10112x128xf32, #tpu.memory_space<vmem_shared>> -> memref<10112x128xf32, #tpu.memory_space<vmem_shared>>
      tpu.enqueue_indirect_dma source(%arg7 : memref<80x128xf32, #tpu.memory_space<vmem>>) target(%dma_start3A_43 : memref<10112x128xf32, #tpu.memory_space<vmem_shared>>) offsets(%dma_start3A_40 : memref<80xi32, #tpu.memory_space<vmem>>) semaphore(%arg10 : memref<!tpu.dma_semaphore, #tpu.memory_space<semaphore_mem>>) {add = true}
      tpu.wait_dma2 semaphore(%arg9 : memref<!tpu.dma_semaphore, #tpu.memory_space<semaphore_mem>>) src(%arg3 : memref<80x128xf32, #tpu.memory_space<hbm>>) dst(%arg7 : memref<80x128xf32, #tpu.memory_space<vmem>>)
      %mul3A_44 = arith.constant 2 : i32
      %mul3A_45 = arith.muli %mul3A_44, %scan3A_33 : i32
      %add3A_46 = arith.constant 2 : i32
      %add3A_47 = arith.addi %mul3A_45, %add3A_46 : i32
      %dma_start3A_48 = arith.constant 0 : i32
      %dma_start3A_49 = tpu.memref_slice %arg6[%add3A_47, %dma_start3A_48] : memref<125x80xi32, #tpu.memory_space<vmem>> -> memref<1x80xi32, #tpu.memory_space<vmem>>
      %dma_start3A_50 = tpu.memref_squeeze %dma_start3A_49 : memref<1x80xi32, #tpu.memory_space<vmem>> -> memref<80xi32, #tpu.memory_space<vmem>>
      %dma_start3A_51 = arith.constant 0 : i32
      %dma_start3A_52 = arith.constant 0 : i32
      %dma_start3A_53 = tpu.memref_slice %arg8[%dma_start3A_51, %dma_start3A_52] : memref<10112x128xf32, #tpu.memory_space<vmem_shared>> -> memref<10112x128xf32, #tpu.memory_space<vmem_shared>>
      tpu.enqueue_indirect_dma source(%arg7 : memref<80x128xf32, #tpu.memory_space<vmem>>) target(%dma_start3A_53 : memref<10112x128xf32, #tpu.memory_space<vmem_shared>>) offsets(%dma_start3A_50 : memref<80xi32, #tpu.memory_space<vmem>>) semaphore(%arg9 : memref<!tpu.dma_semaphore, #tpu.memory_space<semaphore_mem>>) {add = true}
      tpu.wait_dma2 semaphore(%arg10 : memref<!tpu.dma_semaphore, #tpu.memory_space<semaphore_mem>>) src(%arg3 : memref<80x128xf32, #tpu.memory_space<hbm>>) dst(%arg7 : memref<80x128xf32, #tpu.memory_space<vmem>>)
    }
    %scan3A_28 = arith.constant 62 : i32
    tpu.wait_dma2 semaphore(%arg9 : memref<!tpu.dma_semaphore, #tpu.memory_space<semaphore_mem>>) src(%arg3 : memref<80x128xf32, #tpu.memory_space<hbm>>) dst(%arg7 : memref<80x128xf32, #tpu.memory_space<vmem>>)
    %barrier3A_29 = arith.constant 0 : index
    tpu.barrier barrier_id(%barrier3A_29)
    %mul3A_30 = arith.constant 10112 : i32
    %mul3A_31 = arith.muli %arg0, %mul3A_30 : i32
    %add3A_32 = arith.addi %mul3A_31, %mul3A_2 : i32
    "tpu.region"() ({
      %run_scoped3A = tpu.sem_alloc : memref<!tpu.dma_semaphore, #tpu.memory_space<semaphore_mem>>
      %dma_start3A_33 = arith.constant 0 : i32
      %dma_start3A_34 = tpu.memref_slice %arg5[%add3A_32, %dma_start3A_33] : memref<20224x128xf32, #tpu.memory_space<hbm>> -> memref<632x128xf32, #tpu.memory_space<hbm>>
      %dma_start3A_35 = arith.constant 0 : i32
      %dma_start3A_36 = tpu.memref_slice %arg8[%mul3A_2, %dma_start3A_35] : memref<10112x128xf32, #tpu.memory_space<vmem_shared>> -> memref<632x128xf32, #tpu.memory_space<vmem_shared>>
      tpu.enqueue_dma source(%dma_start3A_36 : memref<632x128xf32, #tpu.memory_space<vmem_shared>>) target(%dma_start3A_34 : memref<632x128xf32, #tpu.memory_space<hbm>>) target_semaphore(%run_scoped3A : memref<!tpu.dma_semaphore, #tpu.memory_space<semaphore_mem>>)
      %dma_wait3A_37 = arith.constant 0 : i32
      %dma_wait3A_38 = tpu.memref_slice %arg5[%add3A_32, %dma_wait3A_37] : memref<20224x128xf32, #tpu.memory_space<hbm>> -> memref<632x128xf32, #tpu.memory_space<hbm>>
      %dma_wait3A_39 = arith.constant 0 : i32
      %dma_wait3A_40 = tpu.memref_slice %arg8[%mul3A_2, %dma_wait3A_39] : memref<10112x128xf32, #tpu.memory_space<vmem_shared>> -> memref<632x128xf32, #tpu.memory_space<vmem_shared>>
      tpu.wait_dma2 semaphore(%run_scoped3A : memref<!tpu.dma_semaphore, #tpu.memory_space<semaphore_mem>>) src(%dma_wait3A_40 : memref<632x128xf32, #tpu.memory_space<vmem_shared>>) dst(%dma_wait3A_38 : memref<632x128xf32, #tpu.memory_space<hbm>>)
      tpu.yield
    }) : () -> ()
    return
  }
}

</mosaic_0001>

<sc_bundles>
// kernel: _sc_degree.3.cloned.1.call-start
scs
__scs_entry_jumppad:
0x0: {  	(pc) =	sbr.rel $0x88, $3  }
0x1: {  	(tag) =	ssettag $0x0;
	lr =	simm.s32 $0x1  }
0x2: {  	[smem:$0x3F9E] =	sst lr;
	_ =	strace $0xD0000000  }
0x3: {  	_ = 	snop  }
0x4: {  	_ = 	snop  }
0x5: {  	_ = 	snop  }
0x6: {  	_ = 	snop  }
0x7: {  	_ = 	snop  }
__scs_overlays_trampoline_lowered:
0x8: {  	[smem:$0x3FAD] =	sst s0  }
0x9: {  	[smem:$0x3FAE] =	sst s1  }
0xa: {  	[smem:$0x3FAF] =	sst s2  }
0xb: {  	[smem:$0x3FB0] =	sst s3  }
0xc: {  	[smem:$0x3FB1] =	sst s4  }
0xd: {  	[smem:$0x3FB2] =	sst s5  }
0xe: {  	[smem:$0x3FB3] =	sst s6  }
0xf: {  	[smem:$0x3FB4] =	sst s7  }
0x10: {  	[smem:$0x3FB5] =	sst s8  }
0x11: {  	[smem:$0x3FB6] =	sst s9;
	s0 =	simm.s32 @!p0 $0x0  }
0x12: {  	s1 =	sld [smem:$0x3F9C];
	s0 =	simm.s32 @p0 $0x1  }
0x13: {  	[smem:$0x3FB7] =	sst s0;
	s0 =	simm.s32 @!p1 $0x0  }
0x14: {  	s2 =	sld [smem:$0x3F9B];
	s0 =	simm.s32 @p1 $0x1  }
0x15: {  	[smem:$0x3FB8] =	sst s0;
	s0 =	simm.s32 @!p2 $0x0  }
0x16: {  	s3 =	sld [smem:$0x3FDB];
	s0 =	simm.s32 @p2 $0x1  }
0x17: {  	s4 =	simm.s32 $0x1BF5;
	[smem:$0x3FBA] =	sst s0  }
0x18: {  	s0 =	sld [smem:$0x3F9D];
	_ =	swait.ge [sflag:s4], $0x0  }
0x19: {  	s7 =	sld [smem:$0x3F9E]  }
0x1a: {  	s8 =	sadd.s32 $0xFFFFE003, lr  }
0x1b: {  	s9 =	sadd.s32 $0xFFFFFEF7, lr;
	s5 =	simm.s32 $0xFFFFFFFF;
	p2 =	slt.u32 s8, $0xFFFFF086  }
0x1c: {  	p1 =	slt.u32 s9, $0xF7A;
	s5 =	simm.s32 @!p2 $0x0  }
0x1d: {  	s5 =	simm.s32 @p1 $0x1;
	p0 =	seq.s32 s7, s2  }
0x1e: {  	s7 =	smul.u32 @!p0 $0xF7A, s2;
	p2 =	seq.s32 @!p0 s5, $0x0  }
0x1f: {  	s9 =	smul.u32 $0xF7A, s1;
	s8 =	simm.s32 @!p0 $0x1BF5;
	p2 =	por !p2, p0  }
0x20: {  	[sflag:s8] =	ssyncset.s32 @!p0 $0xFFFFF086;
	s6 =	sadd.s32 @!p0 s3, s7;
	s7 =	simm.s32 @!p0 $0x108  }
0x21: {  	s3 =	sadd.s32 s3, s9;
	s6 =	sadd.s32 @!p0 $0x88, s6;
	s7 =	simm.s32 @p2 $0x1082  }
0x22: {  	[simem:s7], [sflag:s8] =	dma.local @!p0 [hbm:s6], $0xF7A  }
0x23: {  	s9 =	sor.u32 $0xD0000000, s2;
	s6 =	simm.s32 $0x108;
	_ =	swait.ge @!p0 [sflag:s8], $0x0  }
0x24: {  	s3 =	sadd.s32 $0x88, s3;
	s6 =	simm.s32 @!p1 $0x1082;
	[sflag:s4] =	ssyncset.s32 $0xFFFFF086  }
0x25: {  	[simem:s6], [sflag:s4] =	dma.local [hbm:s3], $0xF7A  }
0x26: {  	[smem:$0x3F9E] =	sst s1;
	(tag) =	ssettag s2;
	_ =	strace s9  }
0x27: {  	s1 =	sld [smem:$0x3FAE]  }
0x28: {  	s2 =	sld [smem:$0x3FAF]  }
0x29: {  	s4 =	sld [smem:$0x3FB1]  }
0x2a: {  	p0 =	seq.s32 s5, $0x0;
	s5 =	sld [smem:$0x3FB2]  }
0x2b: {  	s6 =	sld [smem:$0x3FB3]  }
0x2c: {  	s7 =	sld [smem:$0x3FB4]  }
0x2d: {  	s3 =	simm.s32 $0x108;
	s8 =	sld [smem:$0x3FB5]  }
0x2e: {  	s3 =	simm.s32 @!p0 $0x1082;
	s9 =	sld [smem:$0x3FB6]  }
0x2f: {  	lr =	sadd.s32 s0, s3;
	s0 =	sld [smem:$0x3FAD]  }
0x30: {  	s3 =	sld [smem:$0x3FB0]  }
0x31: {  	[smem:$0x3FB9] =	sst s10  }
0x32: {  	s10 =	sld [smem:$0x3FB7];
	_ =	sdelay $0x3  }
0x33: {  	p0 =	seq.s32 s10, $0x1;
	s10 =	sld [smem:$0x3FB9];
	_ =	sdelay $0x3  }
0x34: {  	[smem:$0x3FB9] =	sst s10  }
0x35: {  	s10 =	sld [smem:$0x3FB8];
	_ =	sdelay $0x3  }
0x36: {  	p1 =	seq.s32 s10, $0x1;
	s10 =	sld [smem:$0x3FB9];
	_ =	sdelay $0x3  }
0x37: {  	[smem:$0x3FB9] =	sst s10  }
0x38: {  	s10 =	sld [smem:$0x3FBA]  }
0x39: {  	_ = 	snop;
	(pc) =	sbr.ind lr, $3  }
0x3a: {  	_ = 	snop  }
0x3b: {  	_ = 	snop  }
0x3c: {  	p2 =	seq.s32 s10, $0x1;
	s10 =	sld [smem:$0x3FB9]  }
0x3d: {  	_ =	shalt  }
0x3e: {  	_ =	shalt  }
0x3f: {  	_ =	shalt  }
0x40: {  	_ =	shalt  }
0x41: {  	_ =	shalt  }
0x42: {  	_ =	shalt  }
0x43: {  	_ =	shalt  }
0x44: {  	_ =	shalt  }
0x45: {  	_ =	shalt  }
0x46: {  	_ =	shalt  }
0x47: {  	_ =	shalt  }
0x48: {  	_ =	shalt  }
0x49: {  	_ =	shalt  }
0x4a: {  	_ =	shalt  }
0x4b: {  	_ =	shalt  }
0x4c: {  	_ =	shalt  }
0x4d: {  	_ =	shalt  }
0x4e: {  	_ =	shalt  }
0x4f: {  	_ =	shalt  }
0x50: {  	_ =	shalt  }
0x51: {  	_ =	shalt  }
0x52: {  	_ =	shalt  }
0x53: {  	_ =	shalt  }
0x54: {  	_ =	shalt  }
0x55: {  	_ =	shalt  }
0x56: {  	_ =	shalt  }
0x57: {  	_ =	shalt  }
0x58: {  	_ =	shalt  }
0x59: {  	_ =	shalt  }
0x5a: {  	_ =	shalt  }
0x5b: {  	_ =	shalt  }
0x5c: {  	_ =	shalt  }
0x5d: {  	_ =	shalt  }
0x5e: {  	_ =	shalt  }
0x5f: {  	_ =	shalt  }
0x60: {  	_ =	shalt  }
0x61: {  	_ =	shalt  }
0x62: {  	_ =	shalt  }
0x63: {  	_ =	shalt  }
0x64: {  	_ =	shalt  }
0x65: {  	_ =	shalt  }
0x66: {  	_ =	shalt  }
0x67: {  	_ =	shalt  }
0x68: {  	_ =	shalt  }
0x69: {  	_ =	shalt  }
0x6a: {  	_ =	shalt  }
0x6b: {  	_ =	shalt  }
0x6c: {  	_ =	shalt  }
0x6d: {  	_ =	shalt  }
0x6e: {  	_ =	shalt  }
0x6f: {  	_ =	shalt  }
0x70: {  	_ =	shalt  }
0x71: {  	_ =	shalt  }
0x72: {  	_ =	shalt  }
0x73: {  	_ =	shalt  }
0x74: {  	_ =	shalt  }
0x75: {  	_ =	shalt  }
0x76: {  	_ =	shalt  }
0x77: {  	_ =	shalt  }
0x78: {  	_ =	shalt  }
0x79: {  	_ =	shalt  }
0x7a: {  	_ =	shalt  }
0x7b: {  	_ =	shalt  }
0x7c: {  	_ =	shalt  }
0x7d: {  	_ =	shalt  }
0x7e: {  	_ =	shalt  }
0x7f: {  	_ =	shalt  }
0x80: {  	_ =	shalt  }
0x81: {  	_ =	shalt  }
0x82: {  	_ =	shalt  }
0x83: {  	_ =	shalt  }
0x84: {  	_ =	shalt  }
0x85: {  	_ =	shalt  }
0x86: {  	_ =	shalt  }
0x87: {  	_ =	shalt  }
.Lfunc_end0:
.L_simem_size_0:
called_computation_lowered:
.L_overlay_start_0:
0x88: {  	s2 =	sld [smem:$0x3FD9]  }
0x89: {  	s3 =	sld [smem:$0x3FFE];
	_ =	sdelay $0x1  }
0x8a: {  	s1 =	srdreg.scid  }
0x8b: {  	s0 =	sand.u32 $0x1, s1  }
0x8c: {  	s17 =	sshll.u32 s0, $0xA;
	s2 =	sadd.s32 s3, s2  }
0x8d: {  	s2 =	sadd.s32 s2, s17  }
0x8e: {  	[smem:$0x3FC5] =	sst s2  }
0x8f: {  	_ = 	snop  }
0x90: {  	s2 =	sld [smem:$0x3FC8]  }
0x91: {  	s18 =	sld [smem:$0x3FC7];
	(tm) =	ssettm $0x1  }
0x92: {  	s4 =	sld [smem:$0x3FFB];
	_ =	sdelay $0x3  }
0x93: {  	_ =	strace s4  }
0x94: {  	s4 =	sld [smem:$0x3FFC];
	_ =	sdelay $0x3  }
0x95: {  	_ =	strace s4  }
0x96: {  	s4 =	sld [smem:$0x3FFD];
	_ =	sdelay $0x3  }
0x97: {  	_ =	strace s4  }
0x98: {  	_ =	strace $0x8FFFFFFF  }
0x99: {  	s19 =	sld [smem:$0x3FDB];
	_ =	sdelay $0x1  }
0x9a: {  	s5 =	simm.s32 $_scs_section_size  }
0x9b: {  	s6 =	simm.s32 $_size__tile_overlayer_lowered;
	s7 =	simm.s32 $_tile_overlayer_lowered  }
0x9c: {  	s22 =	simm.s32 $0x1BFF;
	s21 =	sshll.u32 s7, $0x1;
	s4 =	sadd.s32 s5, s19  }
0x9d: {  	s8 =	simm.s32 $0x0;
	s20 =	sshll.u32 s6, $0x1;
	s6 =	sadd.s32 s21, s4  }
0x9e: {  	[timem:s8], [sflag:s22] =	dma.local [hbm:s6], s20  }
0x9f: {  	_ =	swait.ge [sflag:s22], s20  }
0xa0: {  	s5 =	ssub.s32 $0x0, s20;
	[sflag:s22] =	ssyncset.done $0x0  }
0xa1: {  	[sflag:s22] =	ssyncadd.s32 s5;
	_ =	sdelay $0x1  }
0xa2: {  	s23 =	simm.s32 $0x1B8B  }
0xa3: {  	_ =	swait.ge [sflag:s23], $0x1  }
0xa4: {  	[sflag:s23] =	ssyncset.done $0x0  }
0xa5: {  	s25 =	simm.s32 $0x1B8E;
	s24 =	sld [smem:$0x3FFE];
	[sflag:s23] =	ssyncadd.s32 $0xFFFFFFFF  }
0xa6: {  	s26 =	simm.s32 $execute0_lowered;
	[smem:$0x3FD2] =	sst s25  }
0xa7: {  	s6 =	sshll.u32 s26, $0x1;
	_ =	strace $0x80000046;
	[dreg:$0x1] =	wrdreg $0xFFFFFFFF  }
0xa8: {  	s28 =	simm.s32 $_size_execute0_lowered;
	s4 =	sadd.s32 s4, s6;
	[dreg:$0x0] =	wrdreg $0x0  }
0xa9: {  	s6 =	sshll.u32 s28, $0x1;
	[dreg:$0x2] =	wrdreg s4  }
0xaa: {  	[dreg:$0x3] =	wrdreg s6  }
0xab: {  	[dreg:$0x4] =	wrdreg $0xC0  }
0xac: {  	_ =	task [dreg:s8], $0x5FFFF  }
0xad: {  	[dreg:$0x1] =	wrdreg $0xFFFFFFFF  }
0xae: {  	[dreg:$0x0] =	wrdreg $0x60  }
0xaf: {  	[dreg:$0x2] =	wrdreg s24  }
0xb0: {  	[dreg:$0x3] =	wrdreg s2  }
0xb1: {  	[dreg:$0x4] =	wrdreg s18  }
0xb2: {  	[dreg:$0x5] =	wrdreg $0x68000  }
0xb3: {  	[dreg:$0x6] =	wrdreg $0x9  }
0xb4: {  	_ =	task.clear_ibuf [dreg:s8], $0x7FFFF;
	_ =	strace $0x90000046  }
0xb5: {  	s29 =	simm.s32 $0x9;
	_ =	strace $0x80000048  }
0xb6: {  	_ =	swait.ge [sflag:s29], $0x1  }
0xb7: {  	[sflag:s29] =	ssyncadd.s32 $0xFFFFFFFF  }
0xb8: {  	_ =	strace $0x90000048  }
0xb9: {  	_ =	sfence  }
0xba: {  	s30 =	sld [smem:$0x0];
	_ =	sdelay $0x2  }
0xbb: {  	s31 =	sshll.u32 s1, $0xD;
	s1 =	sshrl.u32 s1, $0x2  }
0xbc: {  	s3 =	sand.u32 $0x4000, s31;
	s1 =	sadd.s32 s1, s30  }
0xbd: {  	s0 =	sor.u32 s3, s0;
	s1 =	sshll.u32 s1, $0x11  }
0xbe: {  	s0 =	sor.u32 s1, s0  }
0xbf: {  	s0 =	sadd.s32 $0x8F2B, s0  }
0xc0: {  	[sflag:s0] =	ssyncadd.remote.s32 $0x1  }
0xc1: {  	_ =	sfence.sel $0xFFFF  }
0xc2: {  	[dreg:$0x0] =	wrdreg $0xFFFFFFFF;
	(pc) =	sbr.abs _section_cstart, $3  }
0xc3: {  	[dreg:$0x1] =	wrdreg $0xFFFFFFFF  }
0xc4: {  	_ =	task.clear_ibuf [dreg:s8], $0x2FFFF;
	_ =	strace $0x9FFFFFFF  }
0xc5: {  	(tm) =	ssettm $0x7FFFFFFF  }
tec
execute0_lowered:
.L_overlay_start_1:
0x0: {  	(tag) =	ssettag $0x1  }
0x1: {  	s6 =	rddreg [dreg:$0x0]  }
0x2: {  	s1 =	rddreg [dreg:$0x1]  }
0x3: {  	s3 =	rddreg [dreg:$0x2]  }
0x4: {  	s4 =	rddreg [dreg:$0x3]  }
0x5: {  	s0 =	rddreg [dreg:$0x4]  }
0x6: {  	s7 =	srdreg.scid;
	s2 =	stileid.u32  }
0x7: {  	s5 =	simm.s32 $0x0;
	s12 =	simm.s32 $0x4000;
	s13 =	simm.s32 $0x1  }
0x8: {  	s14 =	simm.s32 $0x50;
	s15 =	simm.s32 $0x2;
	s16 =	simm.s32 $0x0  }
0x9: {  	s7 =	sand.u32 $0x1, s7;
	s8 =	smul.u32 $0x2780, s2;
	[smem:$0x7FF] =	sst s5  }
0xa: {  	s11 =	smul.u32 $0x4F000, s2;
	s29 =	sshll.u32 s2, $0xC;
	s31 =	sshll.u32 s2, $0x6  }
0xb: {  	s9 =	sshll.u32 s7, $0xB;
	s10 =	smul.u32 $0x27800, s7;
	s7 =	ssub.s32 $0x2, s7  }
0xc: {  	_ =	strace $0x80000047;
	s9 =	sadd.s32 s9, s6;
	s28 =	sshrl.u32 s7, $0x1  }
0xd: {  	s30 =	sshrl.u32 s11, $0x2;
	s8 =	sadd.s32 s8, s10;
	s10 =	ssub.s32 s7, s28  }
0xe: {  	s11 =	sadd.s32 s30, s4;
	s7 =	sor.u32 $0x1C03, s31;
	s8 =	sadd.s32 s8, s6  }
0xf: {  	s6 =	sadd.s32 s29, s9;
	s9 =	smax.u32 s10, $0x1;
	s10 =	sshrl.u32 s11, $0x3  }
0x10: {  	s11 =	simm.s32 $0x3;
	s6 =	sadd.s32 $0x400, s6;
	s8 =	sadd.s32 $0x10400, s8  }
.LBB2_1:
0x11: {  	[tilespmem:s5], [sflag:$0x1] =	stream.linear.gather [hbm4b:s6+s5], $0x3E80, $0x38;
	[tilespmem:$0x1A400] =	vst v63  }
0x12: {  	[spmem:s10], [sflag:s7] =	dma.local [hbm:s3], $0x2780  }
0x13: {  	_ =	swait.ge [sflag:s11], $0x2780  }
0x14: {  	[sflag:s11] =	ssyncset.done $0x0  }
0x15: {  	[sflag:s11] =	ssyncadd.s32 $0xFFFFD880  }
0x16: {  	[tilespmem:s12], [sflag:$0x3] =	stream.linear.gather [hbm4b:s1+s5], $0x2800, $0x38;
	[tilespmem:$0x1A400] =	vst v63  }
0x17: {  	_ =	swait.ge [sflag:s11], $0x2800  }
0x18: {  	[sflag:s11] =	ssyncset.done $0x0  }
0x19: {  	[sflag:s11] =	ssyncadd.s32 $0xFFFFD800  }
0x1a: {  	_ =	swait.ge [sflag:s13], $0x3E80  }
0x1b: {  	[sflag:s13] =	ssyncset.done $0x0  }
0x1c: {  	[sflag:s13] =	ssyncadd.s32 $0xFFFFC180  }
0x1d: {  	[bflag:$0x0] =	sbarrier.arrive $0xFFFF  }
0x1e: {  	[spmem:s4] =	stream.indirect.scatter.add.f32 [tilespmem:s12], [sflag:$0x1], $0x80, s5, s14, $0xb8;
	[tilespmem:$0x1A400] =	vst v63  }
0x1f: {  	s17 =	simm.s32 $0x80  }
0x20: {  	[spmem:s4] =	stream.indirect.scatter.add.f32 [tilespmem:s12], [sflag:$0x2], $0x80, s17, s14, $0xb8;
	[tilespmem:$0x1A400] =	vst v63  }
0x21: {  	_ =	swait.ge [sflag:s13], $0x2800  }
0x22: {  	[sflag:s13] =	ssyncset.done $0x0  }
0x23: {  	s31 =	simm.s32 $0x100;
	[sflag:s13] =	ssyncadd.s32 $0xFFFFD800  }
0x24: {  	[spmem:s4] =	stream.indirect.scatter.add.f32 [tilespmem:s12], [sflag:$0x1], $0x80, s31, s14, $0xb8;
	[tilespmem:$0x1A400] =	vst v63  }
0x25: {  	_ =	swait.ge [sflag:s15], $0x2800  }
0x26: {  	s18 =	simm.s32 $0xFFFF1000;
	s17 =	simm.s32 $0xFFFFC300;
	[sflag:s15] =	ssyncset.done $0x0  }
.LBB2_2:
0x27: {  	s19 =	sadd.s32 $0x3E80, s17  }
0x28: {  	[sflag:s15] =	ssyncadd.s32 $0xFFFFD800;
	s20 =	smov.u32 s18;
	s21 =	sadd.s32 $0x400, s18  }
0x29: {  	[spmem:s4] =	stream.indirect.scatter.add.f32 [tilespmem:s12], [sflag:$0x2], $0x80, s19, s14, $0xb8;
	[tilespmem:$0x1A400] =	vst v63  }
0x2a: {  	p0 =	sne.s32 s18, $0xFFFFFC00;
	_ =	swait.ge [sflag:s13], $0x2800  }
.Ltmp0:
0x2b: {  	[sflag:s13] =	ssyncset.done $0x0;
	(pc) =	sbr.rel @p0 .LBB2_2-.Ltmp0, $4  }
0x2c: {  	s17 =	sadd.s32 $0x3F00, s17;
	[sflag:s13] =	ssyncadd.s32 $0xFFFFD800  }
0x2d: {  	[spmem:s4] =	stream.indirect.scatter.add.f32 [tilespmem:s12], [sflag:$0x1], $0x80, s17, s14, $0xb8;
	[tilespmem:$0x1A400] =	vst v63  }
0x2e: {  	_ =	swait.ge [sflag:s15], $0x2800  }
0x2f: {  	s18 =	smov.u32 s21;
	s17 =	sshra.s32 s20, $0x2;
	[sflag:s15] =	ssyncset.done $0x0  }
0x30: {  	s18 =	sadd.s32 $0x3E80, s17;
	[sflag:s15] =	ssyncadd.s32 $0xFFFFD800  }
0x31: {  	[spmem:s4] =	stream.indirect.scatter.add.f32 [tilespmem:s12], [sflag:$0x2], $0x80, s18, s14, $0xb8;
	[tilespmem:$0x1A400] =	vst v63  }
0x32: {  	_ =	swait.ge [sflag:s13], $0x2800  }
0x33: {  	[sflag:s13] =	ssyncset.done $0x0  }
0x34: {  	s31 =	sadd.s32 $0x3F00, s17;
	[sflag:s13] =	ssyncadd.s32 $0xFFFFD800  }
0x35: {  	[spmem:s4] =	stream.indirect.scatter.add.f32 [tilespmem:s12], [sflag:$0x1], $0x80, s31, s14, $0xb8;
	[tilespmem:$0x1A400] =	vst v63  }
0x36: {  	_ =	swait.ge [sflag:s15], $0x2800  }
0x37: {  	[sflag:s15] =	ssyncset.done $0x0  }
0x38: {  	[sflag:s15] =	ssyncadd.s32 $0xFFFFD800  }
0x39: {  	_ =	swait.ge [sflag:s13], $0x2800  }
0x3a: {  	s16 =	sadd.s32 $0x1, s16;
	[sflag:s13] =	ssyncset.done $0x0  }
0x3b: {  	p0 =	sne.s32 s16, s9;
	[sflag:s13] =	ssyncadd.s32 $0xFFFFD800  }
.Ltmp1:
0x3c: {  	[bflag:$0x0] =	sbarrier.arrive $0xFFFF;
	(pc) =	sbr.rel @p0 .LBB2_1-.Ltmp1, $4  }
0x3d: {  	[hbm:s8], [sflag:s7] =	dma.local [spmem:s10], $0x2780  }
0x3e: {  	_ =	swait.ge [sflag:s11], $0x2780  }
0x3f: {  	[sflag:s11] =	ssyncset.done $0x0  }
0x40: {  	[sflag:s11] =	ssyncadd.s32 $0xFFFFD880  }
0x41: {  	_ =	sfence.sel $0x180000  }
0x42: {  	[bflag:$0x0] =	sbarrier.arrive $0xFFFF  }
0x43: {  	p0 =	sne.s32 s2, $0x0;
	_ =	strace $0x90000047  }
0x44: {  	s0 =	sadd.s32 @!p0 $0x100000, s0;
	[bflag:$0x2] =	sbarrier.arrive $0xFFFF  }
0x45: {  	[sflag:s0] =	ssyncadd.tile.s32 @!p0 $0x1;
	_ =	shalt  }
.Lfunc_end2:
_tile_overlayer_lowered:
.L_overlay_start_2:
0x46: {  	(tag) =	ssettag $0x2  }
0x47: {  	s0 =	rddreg [dreg:$0x0];
	s2 =	stileid.u32  }
0x48: {  	s1 =	rddreg [dreg:$0x1];
	p0 =	sne.s32 s2, $0x0  }
0x49: {  	s3 =	rddreg [dreg:$0x2];
	[bflag:$0x3] =	sbarrier.arrive $0xFFFF;
	s2 =	simm.s32 @!p0 $0x1C03  }
0x4a: {  	[timem:s3], [sflag:s2] =	dma.local @!p0 [hbm:s0], s1  }
0x4b: {  	s0 =	simm.s32 @!p0 $0x3  }
0x4c: {  	_ =	swait.ge @!p0 [sflag:s0], s1  }
0x4d: {  	s1 =	ssub.s32 @!p0 $0x0, s1;
	[sflag:s0] =	ssyncset.done @!p0 $0x0  }
0x4e: {  	[sflag:s0] =	ssyncadd.s32 @!p0 s1  }
0x4f: {  	[bflag:$0x3] =	sbarrier.arrive $0xFFFF  }
0x50: {  	_ =	shalt  }

</sc_bundles>
